<compile_context>
chip_gen: v7x
topology: tpu7x:2x2x1
jax: 0.10.2.dev20260603
libtpu: 0.0.44.dev20260713+nightly
codegen_flags: <defaults>
</compile_context>

<pallas_src>
import functools

import jax
import jax.numpy as jnp
from jax import lax
from jax.experimental import pallas as pl
from jax.experimental.pallas import tpu as pltpu
from jax.experimental.pallas import tpu_sc as plsc

VOCAB = 1000000
B = 16384
L = 200
N = B * L

_NC, _NS = 2, 16
_NW = _NC * _NS

_PER_W = N // _NW
_CHUNK = 12800
_NCHUNK = _PER_W // _CHUNK

_mesh = functools.partial(
    plsc.VectorSubcoreMesh, core_axis_name="c", subcore_axis_name="s"
)


_TCOLS = 65536
_TGRID = 16
_TPAD = _TGRID * _TCOLS


def _transform_body(w_ref, tab_ref, out_ref):
    x = tab_ref[...]
    e0 = x[0:1, :]
    e1 = x[1:2, :]
    e2 = x[2:3, :]
    h0 = jnp.maximum(
        e0 * w_ref[0] + e1 * w_ref[1] + e2 * w_ref[2] + w_ref[3], 0.0)
    h1 = jnp.maximum(
        e0 * w_ref[4] + e1 * w_ref[5] + e2 * w_ref[6] + w_ref[7], 0.0)
    y = jnp.maximum(h0 * w_ref[8] + h1 * w_ref[9] + w_ref[10], 0.0)
    out_ref[...] = y.reshape(_TCOLS)


def _gather_body(t_hbm, idx_hbm, out_hbm, ia, ib, ga, gb,
                 sia, sib, sga, sgb, soa, sob):
    wid = lax.axis_index("s") * _NC + lax.axis_index("c")
    base = wid * _PER_W
    iv, gv = [ia, ib], [ga, gb]
    si, sg, so = [sia, sib], [sga, sgb], [soa, sob]

    def islice(k):
        return idx_hbm.at[pl.ds(base + k * _CHUNK, _CHUNK)]

    def oslice(k):
        return out_hbm.at[pl.ds(base + k * _CHUNK, _CHUNK)]

    hi = [None] * _NCHUNK
    hg = [None] * _NCHUNK
    ho = [None] * _NCHUNK
    hi[0] = pltpu.async_copy(islice(0), iv[0], si[0])
    for k in range(_NCHUNK):
        b = k % 2
        o = 1 - b
        if k >= 2:
            ho[k - 2].wait()
        hi[k].wait()
        hg[k] = pltpu.async_copy(t_hbm.at[iv[b]], gv[b], sg[b])
        if k + 1 < _NCHUNK:
            hi[k + 1] = pltpu.async_copy(islice(k + 1), iv[o], si[o])
        hg[k].wait()
        ho[k] = pltpu.async_copy(gv[b], oslice(k), so[b])
    ho[_NCHUNK - 2].wait()
    ho[_NCHUNK - 1].wait()


def kernel(inputs, table, W1, b1, W2, b2):
    wvec = jnp.concatenate(
        [W1[0], b1[0:1], W1[1], b1[1:2], W2[0], b2]
    ).astype(jnp.float32)
    t = pl.pallas_call(
        _transform_body,
        grid=(_TGRID,),
        in_specs=[
            pl.BlockSpec(memory_space=pltpu.SMEM),
            pl.BlockSpec((3, _TCOLS), lambda i: (0, i)),
        ],
        out_specs=pl.BlockSpec((_TCOLS,), lambda i: (i,)),
        out_shape=jax.ShapeDtypeStruct((_TPAD,), jnp.float32),
    )(wvec, table.T)

    gather = functools.partial(
        pl.kernel,
        mesh=_mesh(),
        out_type=jax.ShapeDtypeStruct((N,), jnp.float32),
        scratch_types=[
            pltpu.VMEM((_CHUNK,), jnp.int32),
            pltpu.VMEM((_CHUNK,), jnp.int32),
            pltpu.VMEM((_CHUNK,), jnp.float32),
            pltpu.VMEM((_CHUNK,), jnp.float32),
            pltpu.SemaphoreType.DMA,
            pltpu.SemaphoreType.DMA,
            pltpu.SemaphoreType.DMA,
            pltpu.SemaphoreType.DMA,
            pltpu.SemaphoreType.DMA,
            pltpu.SemaphoreType.DMA,
        ],
    )(_gather_body)
    out = gather(t, inputs.reshape(N))
    return out.reshape(B, L, 1)

# --- scband reference (transcript-rebuilt; emitter-appended) ---
"""Pipeline reference for scband-latent-embed-16449724745124 (READ-ONLY COPY).

The authoritative reference and input builder live on the scoring server;
editing this copy changes nothing except your own understanding.
"""

import jax, jax.numpy as jnp
import numpy as np

VOCAB = 1000000
EMB = 3
B = 16384
L = 200

def setup_inputs(seed: int = 0) -> dict:
    key = jax.random.key(seed)
    k1, k2, k3, k4, k5, k6 = jax.random.split(key, 6)
    inputs = jax.random.randint(k1, (B, L), 0, VOCAB, dtype=jnp.int64 if jax.config.jax_enable_x64 else jnp.int32).astype(jnp.int32)
    table = jax.random.normal(k2, (VOCAB, EMB), dtype=jnp.float32)
    W1 = jax.random.normal(k3, (2, 3), dtype=jnp.float32) * (1.0 / np.sqrt(3.0))
    b1 = jax.random.normal(k4, (2,), dtype=jnp.float32) * 0.01
    W2 = jax.random.normal(k5, (1, 2), dtype=jnp.float32) * (1.0 / np.sqrt(2.0))
    b2 = jax.random.normal(k6, (1,), dtype=jnp.float32) * 0.01
    return {"inputs": inputs, "table": table, "W1": W1, "b1": b1, "W2": W2, "b2": b2}

def reference(inputs, table, W1, b1, W2, b2):
    # nn.Embedding lookup
    embeds = jnp.take(table, inputs, axis=0)            # [B, L, 3]
    # linear1 (3 -> 2) + relu
    out = jax.nn.relu(jnp.einsum('blk,ok->blo', embeds, W1) + b1)  # [B, L, 2]
    # linear2 (2 -> 1) + relu
    out = jax.nn.relu(jnp.einsum('blk,ok->blo', out, W2) + b2)     # [B, L, 1]
    return out

if __name__ == "__main__":
    import jax
    _d = setup_inputs()
    print(jax.jit(kernel)(*tuple(_d.values())))

</pallas_src>

<mosaic_0001>
#map = affine_map<(d0, d1) -> (0)>
module attributes {stable_mosaic.version = 14 : i64} {
  func.func @_gather_body(%arg0: i32, %arg1: i32, %arg2: memref<1048576xf32, #tpu.memory_space<hbm>>, %arg3: memref<3276800xi32, #tpu.memory_space<hbm>>, %arg4: memref<3276800xf32, #tpu.memory_space<hbm>>, %arg5: memref<12800xi32, #tpu.memory_space<vmem>>, %arg6: memref<12800xi32, #tpu.memory_space<vmem>>, %arg7: memref<12800xf32, #tpu.memory_space<vmem>>, %arg8: memref<12800xf32, #tpu.memory_space<vmem>>, %arg9: memref<!tpu.dma_semaphore, #tpu.memory_space<semaphore_mem>>, %arg10: memref<!tpu.dma_semaphore, #tpu.memory_space<semaphore_mem>>, %arg11: memref<!tpu.dma_semaphore, #tpu.memory_space<semaphore_mem>>, %arg12: memref<!tpu.dma_semaphore, #tpu.memory_space<semaphore_mem>>, %arg13: memref<!tpu.dma_semaphore, #tpu.memory_space<semaphore_mem>>, %arg14: memref<!tpu.dma_semaphore, #tpu.memory_space<semaphore_mem>>) attributes {dimension_semantics = [#tpu.dimension_semantics<core_parallel>, #tpu.dimension_semantics<subcore_parallel>], iteration_bounds = array<i64: 2, 16>, scalar_prefetch = 0 : i64, scratch_operands = 10 : i64, tpu.core_type = #tpu.core_type<sc_vector_subcore>, window_params = [{transform_indices = #map}, {transform_indices = #map}, {transform_indices = #map}]} {
    %mul3A = arith.constant 2 : i32
    %mul3A_0 = arith.muli %arg1, %mul3A : i32
    %add3A = arith.addi %mul3A_0, %arg0 : i32
    %mul3A_1 = arith.constant 102400 : i32
    %mul3A_2 = arith.muli %add3A, %mul3A_1 : i32
    %add3A_3 = arith.constant 0 : i32
    %add3A_4 = arith.addi %mul3A_2, %add3A_3 : i32
    %dma_start3A = tpu.memref_slice %arg3[%add3A_4] : memref<3276800xi32, #tpu.memory_space<hbm>> -> memref<12800xi32, #tpu.memory_space<hbm>>
    %dma_start3A_5 = tpu.memref_slice %arg3[%add3A_4] : memref<3276800xi32, #tpu.memory_space<hbm>> -> memref<12800xi32, #tpu.memory_space<hbm>>
    tpu.enqueue_dma source(%dma_start3A_5 : memref<12800xi32, #tpu.memory_space<hbm>>) target(%arg5 : memref<12800xi32, #tpu.memory_space<vmem>>) target_semaphore(%arg9 : memref<!tpu.dma_semaphore, #tpu.memory_space<semaphore_mem>>)
    %dma_wait3A = tpu.memref_slice %arg3[%add3A_4] : memref<3276800xi32, #tpu.memory_space<hbm>> -> memref<12800xi32, #tpu.memory_space<hbm>>
    %dma_wait3A_6 = tpu.memref_slice %arg3[%add3A_4] : memref<3276800xi32, #tpu.memory_space<hbm>> -> memref<12800xi32, #tpu.memory_space<hbm>>
    tpu.wait_dma2 semaphore(%arg9 : memref<!tpu.dma_semaphore, #tpu.memory_space<semaphore_mem>>) src(%dma_wait3A_6 : memref<12800xi32, #tpu.memory_space<hbm>>) dst(%arg5 : memref<12800xi32, #tpu.memory_space<vmem>>)
    %dma_start3A_7 = arith.constant 0 : i32
    %dma_start3A_8 = tpu.memref_slice %arg2[%dma_start3A_7] : memref<1048576xf32, #tpu.memory_space<hbm>> -> memref<1048576xf32, #tpu.memory_space<hbm>>
    tpu.enqueue_indirect_dma source(%dma_start3A_8 : memref<1048576xf32, #tpu.memory_space<hbm>>) target(%arg7 : memref<12800xf32, #tpu.memory_space<vmem>>) offsets(%arg5 : memref<12800xi32, #tpu.memory_space<vmem>>) semaphore(%arg11 : memref<!tpu.dma_semaphore, #tpu.memory_space<semaphore_mem>>)
    %add3A_9 = arith.constant 12800 : i32
    %add3A_10 = arith.addi %mul3A_2, %add3A_9 : i32
    %dma_start3A_11 = tpu.memref_slice %arg3[%add3A_10] : memref<3276800xi32, #tpu.memory_space<hbm>> -> memref<12800xi32, #tpu.memory_space<hbm>>
    %dma_start3A_12 = tpu.memref_slice %arg3[%add3A_10] : memref<3276800xi32, #tpu.memory_space<hbm>> -> memref<12800xi32, #tpu.memory_space<hbm>>
    tpu.enqueue_dma source(%dma_start3A_12 : memref<12800xi32, #tpu.memory_space<hbm>>) target(%arg6 : memref<12800xi32, #tpu.memory_space<vmem>>) target_semaphore(%arg10 : memref<!tpu.dma_semaphore, #tpu.memory_space<semaphore_mem>>)
    %dma_wait3A_13 = arith.constant 0 : i32
    %dma_wait3A_14 = tpu.memref_slice %arg2[%dma_wait3A_13] : memref<1048576xf32, #tpu.memory_space<hbm>> -> memref<1048576xf32, #tpu.memory_space<hbm>>
    tpu.wait_indirect_dma semaphore(%arg11 : memref<!tpu.dma_semaphore, #tpu.memory_space<semaphore_mem>>) src(%dma_wait3A_14 : memref<1048576xf32, #tpu.memory_space<hbm>>) dst(%arg7 : memref<12800xf32, #tpu.memory_space<vmem>>)
    %add3A_15 = arith.constant 0 : i32
    %add3A_16 = arith.addi %mul3A_2, %add3A_15 : i32
    %dma_start3A_17 = tpu.memref_slice %arg4[%add3A_16] : memref<3276800xf32, #tpu.memory_space<hbm>> -> memref<12800xf32, #tpu.memory_space<hbm>>
    %dma_start3A_18 = tpu.memref_slice %arg4[%add3A_16] : memref<3276800xf32, #tpu.memory_space<hbm>> -> memref<12800xf32, #tpu.memory_space<hbm>>
    tpu.enqueue_dma source(%arg7 : memref<12800xf32, #tpu.memory_space<vmem>>) target(%dma_start3A_18 : memref<12800xf32, #tpu.memory_space<hbm>>) target_semaphore(%arg13 : memref<!tpu.dma_semaphore, #tpu.memory_space<semaphore_mem>>)
    %dma_wait3A_19 = tpu.memref_slice %arg3[%add3A_10] : memref<3276800xi32, #tpu.memory_space<hbm>> -> memref<12800xi32, #tpu.memory_space<hbm>>
    %dma_wait3A_20 = tpu.memref_slice %arg3[%add3A_10] : memref<3276800xi32, #tpu.memory_space<hbm>> -> memref<12800xi32, #tpu.memory_space<hbm>>
    tpu.wait_dma2 semaphore(%arg10 : memref<!tpu.dma_semaphore, #tpu.memory_space<semaphore_mem>>) src(%dma_wait3A_20 : memref<12800xi32, #tpu.memory_space<hbm>>) dst(%arg6 : memref<12800xi32, #tpu.memory_space<vmem>>)
    %dma_start3A_21 = arith.constant 0 : i32
    %dma_start3A_22 = tpu.memref_slice %arg2[%dma_start3A_21] : memref<1048576xf32, #tpu.memory_space<hbm>> -> memref<1048576xf32, #tpu.memory_space<hbm>>
    tpu.enqueue_indirect_dma source(%dma_start3A_22 : memref<1048576xf32, #tpu.memory_space<hbm>>) target(%arg8 : memref<12800xf32, #tpu.memory_space<vmem>>) offsets(%arg6 : memref<12800xi32, #tpu.memory_space<vmem>>) semaphore(%arg12 : memref<!tpu.dma_semaphore, #tpu.memory_space<semaphore_mem>>)
    %add3A_23 = arith.constant 25600 : i32
    %add3A_24 = arith.addi %mul3A_2, %add3A_23 : i32
    %dma_start3A_25 = tpu.memref_slice %arg3[%add3A_24] : memref<3276800xi32, #tpu.memory_space<hbm>> -> memref<12800xi32, #tpu.memory_space<hbm>>
    %dma_start3A_26 = tpu.memref_slice %arg3[%add3A_24] : memref<3276800xi32, #tpu.memory_space<hbm>> -> memref<12800xi32, #tpu.memory_space<hbm>>
    tpu.enqueue_dma source(%dma_start3A_26 : memref<12800xi32, #tpu.memory_space<hbm>>) target(%arg5 : memref<12800xi32, #tpu.memory_space<vmem>>) target_semaphore(%arg9 : memref<!tpu.dma_semaphore, #tpu.memory_space<semaphore_mem>>)
    %dma_wait3A_27 = arith.constant 0 : i32
    %dma_wait3A_28 = tpu.memref_slice %arg2[%dma_wait3A_27] : memref<1048576xf32, #tpu.memory_space<hbm>> -> memref<1048576xf32, #tpu.memory_space<hbm>>
    tpu.wait_indirect_dma semaphore(%arg12 : memref<!tpu.dma_semaphore, #tpu.memory_space<semaphore_mem>>) src(%dma_wait3A_28 : memref<1048576xf32, #tpu.memory_space<hbm>>) dst(%arg8 : memref<12800xf32, #tpu.memory_space<vmem>>)
    %add3A_29 = arith.constant 12800 : i32
    %add3A_30 = arith.addi %mul3A_2, %add3A_29 : i32
    %dma_start3A_31 = tpu.memref_slice %arg4[%add3A_30] : memref<3276800xf32, #tpu.memory_space<hbm>> -> memref<12800xf32, #tpu.memory_space<hbm>>
    %dma_start3A_32 = tpu.memref_slice %arg4[%add3A_30] : memref<3276800xf32, #tpu.memory_space<hbm>> -> memref<12800xf32, #tpu.memory_space<hbm>>
    tpu.enqueue_dma source(%arg8 : memref<12800xf32, #tpu.memory_space<vmem>>) target(%dma_start3A_32 : memref<12800xf32, #tpu.memory_space<hbm>>) target_semaphore(%arg14 : memref<!tpu.dma_semaphore, #tpu.memory_space<semaphore_mem>>)
    %dma_wait3A_33 = tpu.memref_slice %arg4[%add3A_16] : memref<3276800xf32, #tpu.memory_space<hbm>> -> memref<12800xf32, #tpu.memory_space<hbm>>
    %dma_wait3A_34 = tpu.memref_slice %arg4[%add3A_16] : memref<3276800xf32, #tpu.memory_space<hbm>> -> memref<12800xf32, #tpu.memory_space<hbm>>
    tpu.wait_dma2 semaphore(%arg13 : memref<!tpu.dma_semaphore, #tpu.memory_space<semaphore_mem>>) src(%arg7 : memref<12800xf32, #tpu.memory_space<vmem>>) dst(%dma_wait3A_34 : memref<12800xf32, #tpu.memory_space<hbm>>)
    %dma_wait3A_35 = tpu.memref_slice %arg3[%add3A_24] : memref<3276800xi32, #tpu.memory_space<hbm>> -> memref<12800xi32, #tpu.memory_space<hbm>>
    %dma_wait3A_36 = tpu.memref_slice %arg3[%add3A_24] : memref<3276800xi32, #tpu.memory_space<hbm>> -> memref<12800xi32, #tpu.memory_space<hbm>>
    tpu.wait_dma2 semaphore(%arg9 : memref<!tpu.dma_semaphore, #tpu.memory_space<semaphore_mem>>) src(%dma_wait3A_36 : memref<12800xi32, #tpu.memory_space<hbm>>) dst(%arg5 : memref<12800xi32, #tpu.memory_space<vmem>>)
    %dma_start3A_37 = arith.constant 0 : i32
    %dma_start3A_38 = tpu.memref_slice %arg2[%dma_start3A_37] : memref<1048576xf32, #tpu.memory_space<hbm>> -> memref<1048576xf32, #tpu.memory_space<hbm>>
    tpu.enqueue_indirect_dma source(%dma_start3A_38 : memref<1048576xf32, #tpu.memory_space<hbm>>) target(%arg7 : memref<12800xf32, #tpu.memory_space<vmem>>) offsets(%arg5 : memref<12800xi32, #tpu.memory_space<vmem>>) semaphore(%arg11 : memref<!tpu.dma_semaphore, #tpu.memory_space<semaphore_mem>>)
    %add3A_39 = arith.constant 38400 : i32
    %add3A_40 = arith.addi %mul3A_2, %add3A_39 : i32
    %dma_start3A_41 = tpu.memref_slice %arg3[%add3A_40] : memref<3276800xi32, #tpu.memory_space<hbm>> -> memref<12800xi32, #tpu.memory_space<hbm>>
    %dma_start3A_42 = tpu.memref_slice %arg3[%add3A_40] : memref<3276800xi32, #tpu.memory_space<hbm>> -> memref<12800xi32, #tpu.memory_space<hbm>>
    tpu.enqueue_dma source(%dma_start3A_42 : memref<12800xi32, #tpu.memory_space<hbm>>) target(%arg6 : memref<12800xi32, #tpu.memory_space<vmem>>) target_semaphore(%arg10 : memref<!tpu.dma_semaphore, #tpu.memory_space<semaphore_mem>>)
    %dma_wait3A_43 = arith.constant 0 : i32
    %dma_wait3A_44 = tpu.memref_slice %arg2[%dma_wait3A_43] : memref<1048576xf32, #tpu.memory_space<hbm>> -> memref<1048576xf32, #tpu.memory_space<hbm>>
    tpu.wait_indirect_dma semaphore(%arg11 : memref<!tpu.dma_semaphore, #tpu.memory_space<semaphore_mem>>) src(%dma_wait3A_44 : memref<1048576xf32, #tpu.memory_space<hbm>>) dst(%arg7 : memref<12800xf32, #tpu.memory_space<vmem>>)
    %add3A_45 = arith.constant 25600 : i32
    %add3A_46 = arith.addi %mul3A_2, %add3A_45 : i32
    %dma_start3A_47 = tpu.memref_slice %arg4[%add3A_46] : memref<3276800xf32, #tpu.memory_space<hbm>> -> memref<12800xf32, #tpu.memory_space<hbm>>
    %dma_start3A_48 = tpu.memref_slice %arg4[%add3A_46] : memref<3276800xf32, #tpu.memory_space<hbm>> -> memref<12800xf32, #tpu.memory_space<hbm>>
    tpu.enqueue_dma source(%arg7 : memref<12800xf32, #tpu.memory_space<vmem>>) target(%dma_start3A_48 : memref<12800xf32, #tpu.memory_space<hbm>>) target_semaphore(%arg13 : memref<!tpu.dma_semaphore, #tpu.memory_space<semaphore_mem>>)
    %dma_wait3A_49 = tpu.memref_slice %arg4[%add3A_30] : memref<3276800xf32, #tpu.memory_space<hbm>> -> memref<12800xf32, #tpu.memory_space<hbm>>
    %dma_wait3A_50 = tpu.memref_slice %arg4[%add3A_30] : memref<3276800xf32, #tpu.memory_space<hbm>> -> memref<12800xf32, #tpu.memory_space<hbm>>
    tpu.wait_dma2 semaphore(%arg14 : memref<!tpu.dma_semaphore, #tpu.memory_space<semaphore_mem>>) src(%arg8 : memref<12800xf32, #tpu.memory_space<vmem>>) dst(%dma_wait3A_50 : memref<12800xf32, #tpu.memory_space<hbm>>)
    %dma_wait3A_51 = tpu.memref_slice %arg3[%add3A_40] : memref<3276800xi32, #tpu.memory_space<hbm>> -> memref<12800xi32, #tpu.memory_space<hbm>>
    %dma_wait3A_52 = tpu.memref_slice %arg3[%add3A_40] : memref<3276800xi32, #tpu.memory_space<hbm>> -> memref<12800xi32, #tpu.memory_space<hbm>>
    tpu.wait_dma2 semaphore(%arg10 : memref<!tpu.dma_semaphore, #tpu.memory_space<semaphore_mem>>) src(%dma_wait3A_52 : memref<12800xi32, #tpu.memory_space<hbm>>) dst(%arg6 : memref<12800xi32, #tpu.memory_space<vmem>>)
    %dma_start3A_53 = arith.constant 0 : i32
    %dma_start3A_54 = tpu.memref_slice %arg2[%dma_start3A_53] : memref<1048576xf32, #tpu.memory_space<hbm>> -> memref<1048576xf32, #tpu.memory_space<hbm>>
    tpu.enqueue_indirect_dma source(%dma_start3A_54 : memref<1048576xf32, #tpu.memory_space<hbm>>) target(%arg8 : memref<12800xf32, #tpu.memory_space<vmem>>) offsets(%arg6 : memref<12800xi32, #tpu.memory_space<vmem>>) semaphore(%arg12 : memref<!tpu.dma_semaphore, #tpu.memory_space<semaphore_mem>>)
    %add3A_55 = arith.constant 51200 : i32
    %add3A_56 = arith.addi %mul3A_2, %add3A_55 : i32
    %dma_start3A_57 = tpu.memref_slice %arg3[%add3A_56] : memref<3276800xi32, #tpu.memory_space<hbm>> -> memref<12800xi32, #tpu.memory_space<hbm>>
    %dma_start3A_58 = tpu.memref_slice %arg3[%add3A_56] : memref<3276800xi32, #tpu.memory_space<hbm>> -> memref<12800xi32, #tpu.memory_space<hbm>>
    tpu.enqueue_dma source(%dma_start3A_58 : memref<12800xi32, #tpu.memory_space<hbm>>) target(%arg5 : memref<12800xi32, #tpu.memory_space<vmem>>) target_semaphore(%arg9 : memref<!tpu.dma_semaphore, #tpu.memory_space<semaphore_mem>>)
    %dma_wait3A_59 = arith.constant 0 : i32
    %dma_wait3A_60 = tpu.memref_slice %arg2[%dma_wait3A_59] : memref<1048576xf32, #tpu.memory_space<hbm>> -> memref<1048576xf32, #tpu.memory_space<hbm>>
    tpu.wait_indirect_dma semaphore(%arg12 : memref<!tpu.dma_semaphore, #tpu.memory_space<semaphore_mem>>) src(%dma_wait3A_60 : memref<1048576xf32, #tpu.memory_space<hbm>>) dst(%arg8 : memref<12800xf32, #tpu.memory_space<vmem>>)
    %add3A_61 = arith.constant 38400 : i32
    %add3A_62 = arith.addi %mul3A_2, %add3A_61 : i32
    %dma_start3A_63 = tpu.memref_slice %arg4[%add3A_62] : memref<3276800xf32, #tpu.memory_space<hbm>> -> memref<12800xf32, #tpu.memory_space<hbm>>
    %dma_start3A_64 = tpu.memref_slice %arg4[%add3A_62] : memref<3276800xf32, #tpu.memory_space<hbm>> -> memref<12800xf32, #tpu.memory_space<hbm>>
    tpu.enqueue_dma source(%arg8 : memref<12800xf32, #tpu.memory_space<vmem>>) target(%dma_start3A_64 : memref<12800xf32, #tpu.memory_space<hbm>>) target_semaphore(%arg14 : memref<!tpu.dma_semaphore, #tpu.memory_space<semaphore_mem>>)
    %dma_wait3A_65 = tpu.memref_slice %arg4[%add3A_46] : memref<3276800xf32, #tpu.memory_space<hbm>> -> memref<12800xf32, #tpu.memory_space<hbm>>
    %dma_wait3A_66 = tpu.memref_slice %arg4[%add3A_46] : memref<3276800xf32, #tpu.memory_space<hbm>> -> memref<12800xf32, #tpu.memory_space<hbm>>
    tpu.wait_dma2 semaphore(%arg13 : memref<!tpu.dma_semaphore, #tpu.memory_space<semaphore_mem>>) src(%arg7 : memref<12800xf32, #tpu.memory_space<vmem>>) dst(%dma_wait3A_66 : memref<12800xf32, #tpu.memory_space<hbm>>)
    %dma_wait3A_67 = tpu.memref_slice %arg3[%add3A_56] : memref<3276800xi32, #tpu.memory_space<hbm>> -> memref<12800xi32, #tpu.memory_space<hbm>>
    %dma_wait3A_68 = tpu.memref_slice %arg3[%add3A_56] : memref<3276800xi32, #tpu.memory_space<hbm>> -> memref<12800xi32, #tpu.memory_space<hbm>>
    tpu.wait_dma2 semaphore(%arg9 : memref<!tpu.dma_semaphore, #tpu.memory_space<semaphore_mem>>) src(%dma_wait3A_68 : memref<12800xi32, #tpu.memory_space<hbm>>) dst(%arg5 : memref<12800xi32, #tpu.memory_space<vmem>>)
    %dma_start3A_69 = arith.constant 0 : i32
    %dma_start3A_70 = tpu.memref_slice %arg2[%dma_start3A_69] : memref<1048576xf32, #tpu.memory_space<hbm>> -> memref<1048576xf32, #tpu.memory_space<hbm>>
    tpu.enqueue_indirect_dma source(%dma_start3A_70 : memref<1048576xf32, #tpu.memory_space<hbm>>) target(%arg7 : memref<12800xf32, #tpu.memory_space<vmem>>) offsets(%arg5 : memref<12800xi32, #tpu.memory_space<vmem>>) semaphore(%arg11 : memref<!tpu.dma_semaphore, #tpu.memory_space<semaphore_mem>>)
    %add3A_71 = arith.constant 64000 : i32
    %add3A_72 = arith.addi %mul3A_2, %add3A_71 : i32
    %dma_start3A_73 = tpu.memref_slice %arg3[%add3A_72] : memref<3276800xi32, #tpu.memory_space<hbm>> -> memref<12800xi32, #tpu.memory_space<hbm>>
    %dma_start3A_74 = tpu.memref_slice %arg3[%add3A_72] : memref<3276800xi32, #tpu.memory_space<hbm>> -> memref<12800xi32, #tpu.memory_space<hbm>>
    tpu.enqueue_dma source(%dma_start3A_74 : memref<12800xi32, #tpu.memory_space<hbm>>) target(%arg6 : memref<12800xi32, #tpu.memory_space<vmem>>) target_semaphore(%arg10 : memref<!tpu.dma_semaphore, #tpu.memory_space<semaphore_mem>>)
    %dma_wait3A_75 = arith.constant 0 : i32
    %dma_wait3A_76 = tpu.memref_slice %arg2[%dma_wait3A_75] : memref<1048576xf32, #tpu.memory_space<hbm>> -> memref<1048576xf32, #tpu.memory_space<hbm>>
    tpu.wait_indirect_dma semaphore(%arg11 : memref<!tpu.dma_semaphore, #tpu.memory_space<semaphore_mem>>) src(%dma_wait3A_76 : memref<1048576xf32, #tpu.memory_space<hbm>>) dst(%arg7 : memref<12800xf32, #tpu.memory_space<vmem>>)
    %add3A_77 = arith.constant 51200 : i32
    %add3A_78 = arith.addi %mul3A_2, %add3A_77 : i32
    %dma_start3A_79 = tpu.memref_slice %arg4[%add3A_78] : memref<3276800xf32, #tpu.memory_space<hbm>> -> memref<12800xf32, #tpu.memory_space<hbm>>
    %dma_start3A_80 = tpu.memref_slice %arg4[%add3A_78] : memref<3276800xf32, #tpu.memory_space<hbm>> -> memref<12800xf32, #tpu.memory_space<hbm>>
    tpu.enqueue_dma source(%arg7 : memref<12800xf32, #tpu.memory_space<vmem>>) target(%dma_start3A_80 : memref<12800xf32, #tpu.memory_space<hbm>>) target_semaphore(%arg13 : memref<!tpu.dma_semaphore, #tpu.memory_space<semaphore_mem>>)
    %dma_wait3A_81 = tpu.memref_slice %arg4[%add3A_62] : memref<3276800xf32, #tpu.memory_space<hbm>> -> memref<12800xf32, #tpu.memory_space<hbm>>
    %dma_wait3A_82 = tpu.memref_slice %arg4[%add3A_62] : memref<3276800xf32, #tpu.memory_space<hbm>> -> memref<12800xf32, #tpu.memory_space<hbm>>
    tpu.wait_dma2 semaphore(%arg14 : memref<!tpu.dma_semaphore, #tpu.memory_space<semaphore_mem>>) src(%arg8 : memref<12800xf32, #tpu.memory_space<vmem>>) dst(%dma_wait3A_82 : memref<12800xf32, #tpu.memory_space<hbm>>)
    %dma_wait3A_83 = tpu.memref_slice %arg3[%add3A_72] : memref<3276800xi32, #tpu.memory_space<hbm>> -> memref<12800xi32, #tpu.memory_space<hbm>>
    %dma_wait3A_84 = tpu.memref_slice %arg3[%add3A_72] : memref<3276800xi32, #tpu.memory_space<hbm>> -> memref<12800xi32, #tpu.memory_space<hbm>>
    tpu.wait_dma2 semaphore(%arg10 : memref<!tpu.dma_semaphore, #tpu.memory_space<semaphore_mem>>) src(%dma_wait3A_84 : memref<12800xi32, #tpu.memory_space<hbm>>) dst(%arg6 : memref<12800xi32, #tpu.memory_space<vmem>>)
    %dma_start3A_85 = arith.constant 0 : i32
    %dma_start3A_86 = tpu.memref_slice %arg2[%dma_start3A_85] : memref<1048576xf32, #tpu.memory_space<hbm>> -> memref<1048576xf32, #tpu.memory_space<hbm>>
    tpu.enqueue_indirect_dma source(%dma_start3A_86 : memref<1048576xf32, #tpu.memory_space<hbm>>) target(%arg8 : memref<12800xf32, #tpu.memory_space<vmem>>) offsets(%arg6 : memref<12800xi32, #tpu.memory_space<vmem>>) semaphore(%arg12 : memref<!tpu.dma_semaphore, #tpu.memory_space<semaphore_mem>>)
    %add3A_87 = arith.constant 76800 : i32
    %add3A_88 = arith.addi %mul3A_2, %add3A_87 : i32
    %dma_start3A_89 = tpu.memref_slice %arg3[%add3A_88] : memref<3276800xi32, #tpu.memory_space<hbm>> -> memref<12800xi32, #tpu.memory_space<hbm>>
    %dma_start3A_90 = tpu.memref_slice %arg3[%add3A_88] : memref<3276800xi32, #tpu.memory_space<hbm>> -> memref<12800xi32, #tpu.memory_space<hbm>>
    tpu.enqueue_dma source(%dma_start3A_90 : memref<12800xi32, #tpu.memory_space<hbm>>) target(%arg5 : memref<12800xi32, #tpu.memory_space<vmem>>) target_semaphore(%arg9 : memref<!tpu.dma_semaphore, #tpu.memory_space<semaphore_mem>>)
    %dma_wait3A_91 = arith.constant 0 : i32
    %dma_wait3A_92 = tpu.memref_slice %arg2[%dma_wait3A_91] : memref<1048576xf32, #tpu.memory_space<hbm>> -> memref<1048576xf32, #tpu.memory_space<hbm>>
    tpu.wait_indirect_dma semaphore(%arg12 : memref<!tpu.dma_semaphore, #tpu.memory_space<semaphore_mem>>) src(%dma_wait3A_92 : memref<1048576xf32, #tpu.memory_space<hbm>>) dst(%arg8 : memref<12800xf32, #tpu.memory_space<vmem>>)
    %add3A_93 = arith.constant 64000 : i32
    %add3A_94 = arith.addi %mul3A_2, %add3A_93 : i32
    %dma_start3A_95 = tpu.memref_slice %arg4[%add3A_94] : memref<3276800xf32, #tpu.memory_space<hbm>> -> memref<12800xf32, #tpu.memory_space<hbm>>
    %dma_start3A_96 = tpu.memref_slice %arg4[%add3A_94] : memref<3276800xf32, #tpu.memory_space<hbm>> -> memref<12800xf32, #tpu.memory_space<hbm>>
    tpu.enqueue_dma source(%arg8 : memref<12800xf32, #tpu.memory_space<vmem>>) target(%dma_start3A_96 : memref<12800xf32, #tpu.memory_space<hbm>>) target_semaphore(%arg14 : memref<!tpu.dma_semaphore, #tpu.memory_space<semaphore_mem>>)
    %dma_wait3A_97 = tpu.memref_slice %arg4[%add3A_78] : memref<3276800xf32, #tpu.memory_space<hbm>> -> memref<12800xf32, #tpu.memory_space<hbm>>
    %dma_wait3A_98 = tpu.memref_slice %arg4[%add3A_78] : memref<3276800xf32, #tpu.memory_space<hbm>> -> memref<12800xf32, #tpu.memory_space<hbm>>
    tpu.wait_dma2 semaphore(%arg13 : memref<!tpu.dma_semaphore, #tpu.memory_space<semaphore_mem>>) src(%arg7 : memref<12800xf32, #tpu.memory_space<vmem>>) dst(%dma_wait3A_98 : memref<12800xf32, #tpu.memory_space<hbm>>)
    %dma_wait3A_99 = tpu.memref_slice %arg3[%add3A_88] : memref<3276800xi32, #tpu.memory_space<hbm>> -> memref<12800xi32, #tpu.memory_space<hbm>>
    %dma_wait3A_100 = tpu.memref_slice %arg3[%add3A_88] : memref<3276800xi32, #tpu.memory_space<hbm>> -> memref<12800xi32, #tpu.memory_space<hbm>>
    tpu.wait_dma2 semaphore(%arg9 : memref<!tpu.dma_semaphore, #tpu.memory_space<semaphore_mem>>) src(%dma_wait3A_100 : memref<12800xi32, #tpu.memory_space<hbm>>) dst(%arg5 : memref<12800xi32, #tpu.memory_space<vmem>>)
    %dma_start3A_101 = arith.constant 0 : i32
    %dma_start3A_102 = tpu.memref_slice %arg2[%dma_start3A_101] : memref<1048576xf32, #tpu.memory_space<hbm>> -> memref<1048576xf32, #tpu.memory_space<hbm>>
    tpu.enqueue_indirect_dma source(%dma_start3A_102 : memref<1048576xf32, #tpu.memory_space<hbm>>) target(%arg7 : memref<12800xf32, #tpu.memory_space<vmem>>) offsets(%arg5 : memref<12800xi32, #tpu.memory_space<vmem>>) semaphore(%arg11 : memref<!tpu.dma_semaphore, #tpu.memory_space<semaphore_mem>>)
    %add3A_103 = arith.constant 89600 : i32
    %add3A_104 = arith.addi %mul3A_2, %add3A_103 : i32
    %dma_start3A_105 = tpu.memref_slice %arg3[%add3A_104] : memref<3276800xi32, #tpu.memory_space<hbm>> -> memref<12800xi32, #tpu.memory_space<hbm>>
    %dma_start3A_106 = tpu.memref_slice %arg3[%add3A_104] : memref<3276800xi32, #tpu.memory_space<hbm>> -> memref<12800xi32, #tpu.memory_space<hbm>>
    tpu.enqueue_dma source(%dma_start3A_106 : memref<12800xi32, #tpu.memory_space<hbm>>) target(%arg6 : memref<12800xi32, #tpu.memory_space<vmem>>) target_semaphore(%arg10 : memref<!tpu.dma_semaphore, #tpu.memory_space<semaphore_mem>>)
    %dma_wait3A_107 = arith.constant 0 : i32
    %dma_wait3A_108 = tpu.memref_slice %arg2[%dma_wait3A_107] : memref<1048576xf32, #tpu.memory_space<hbm>> -> memref<1048576xf32, #tpu.memory_space<hbm>>
    tpu.wait_indirect_dma semaphore(%arg11 : memref<!tpu.dma_semaphore, #tpu.memory_space<semaphore_mem>>) src(%dma_wait3A_108 : memref<1048576xf32, #tpu.memory_space<hbm>>) dst(%arg7 : memref<12800xf32, #tpu.memory_space<vmem>>)
    %add3A_109 = arith.constant 76800 : i32
    %add3A_110 = arith.addi %mul3A_2, %add3A_109 : i32
    %dma_start3A_111 = tpu.memref_slice %arg4[%add3A_110] : memref<3276800xf32, #tpu.memory_space<hbm>> -> memref<12800xf32, #tpu.memory_space<hbm>>
    %dma_start3A_112 = tpu.memref_slice %arg4[%add3A_110] : memref<3276800xf32, #tpu.memory_space<hbm>> -> memref<12800xf32, #tpu.memory_space<hbm>>
    tpu.enqueue_dma source(%arg7 : memref<12800xf32, #tpu.memory_space<vmem>>) target(%dma_start3A_112 : memref<12800xf32, #tpu.memory_space<hbm>>) target_semaphore(%arg13 : memref<!tpu.dma_semaphore, #tpu.memory_space<semaphore_mem>>)
    %dma_wait3A_113 = tpu.memref_slice %arg4[%add3A_94] : memref<3276800xf32, #tpu.memory_space<hbm>> -> memref<12800xf32, #tpu.memory_space<hbm>>
    %dma_wait3A_114 = tpu.memref_slice %arg4[%add3A_94] : memref<3276800xf32, #tpu.memory_space<hbm>> -> memref<12800xf32, #tpu.memory_space<hbm>>
    tpu.wait_dma2 semaphore(%arg14 : memref<!tpu.dma_semaphore, #tpu.memory_space<semaphore_mem>>) src(%arg8 : memref<12800xf32, #tpu.memory_space<vmem>>) dst(%dma_wait3A_114 : memref<12800xf32, #tpu.memory_space<hbm>>)
    %dma_wait3A_115 = tpu.memref_slice %arg3[%add3A_104] : memref<3276800xi32, #tpu.memory_space<hbm>> -> memref<12800xi32, #tpu.memory_space<hbm>>
    %dma_wait3A_116 = tpu.memref_slice %arg3[%add3A_104] : memref<3276800xi32, #tpu.memory_space<hbm>> -> memref<12800xi32, #tpu.memory_space<hbm>>
    tpu.wait_dma2 semaphore(%arg10 : memref<!tpu.dma_semaphore, #tpu.memory_space<semaphore_mem>>) src(%dma_wait3A_116 : memref<12800xi32, #tpu.memory_space<hbm>>) dst(%arg6 : memref<12800xi32, #tpu.memory_space<vmem>>)
    %dma_start3A_117 = arith.constant 0 : i32
    %dma_start3A_118 = tpu.memref_slice %arg2[%dma_start3A_117] : memref<1048576xf32, #tpu.memory_space<hbm>> -> memref<1048576xf32, #tpu.memory_space<hbm>>
    tpu.enqueue_indirect_dma source(%dma_start3A_118 : memref<1048576xf32, #tpu.memory_space<hbm>>) target(%arg8 : memref<12800xf32, #tpu.memory_space<vmem>>) offsets(%arg6 : memref<12800xi32, #tpu.memory_space<vmem>>) semaphore(%arg12 : memref<!tpu.dma_semaphore, #tpu.memory_space<semaphore_mem>>)
    %dma_wait3A_119 = arith.constant 0 : i32
    %dma_wait3A_120 = tpu.memref_slice %arg2[%dma_wait3A_119] : memref<1048576xf32, #tpu.memory_space<hbm>> -> memref<1048576xf32, #tpu.memory_space<hbm>>
    tpu.wait_indirect_dma semaphore(%arg12 : memref<!tpu.dma_semaphore, #tpu.memory_space<semaphore_mem>>) src(%dma_wait3A_120 : memref<1048576xf32, #tpu.memory_space<hbm>>) dst(%arg8 : memref<12800xf32, #tpu.memory_space<vmem>>)
    %add3A_121 = arith.constant 89600 : i32
    %add3A_122 = arith.addi %mul3A_2, %add3A_121 : i32
    %dma_start3A_123 = tpu.memref_slice %arg4[%add3A_122] : memref<3276800xf32, #tpu.memory_space<hbm>> -> memref<12800xf32, #tpu.memory_space<hbm>>
    %dma_start3A_124 = tpu.memref_slice %arg4[%add3A_122] : memref<3276800xf32, #tpu.memory_space<hbm>> -> memref<12800xf32, #tpu.memory_space<hbm>>
    tpu.enqueue_dma source(%arg8 : memref<12800xf32, #tpu.memory_space<vmem>>) target(%dma_start3A_124 : memref<12800xf32, #tpu.memory_space<hbm>>) target_semaphore(%arg14 : memref<!tpu.dma_semaphore, #tpu.memory_space<semaphore_mem>>)
    %dma_wait3A_125 = tpu.memref_slice %arg4[%add3A_110] : memref<3276800xf32, #tpu.memory_space<hbm>> -> memref<12800xf32, #tpu.memory_space<hbm>>
    %dma_wait3A_126 = tpu.memref_slice %arg4[%add3A_110] : memref<3276800xf32, #tpu.memory_space<hbm>> -> memref<12800xf32, #tpu.memory_space<hbm>>
    tpu.wait_dma2 semaphore(%arg13 : memref<!tpu.dma_semaphore, #tpu.memory_space<semaphore_mem>>) src(%arg7 : memref<12800xf32, #tpu.memory_space<vmem>>) dst(%dma_wait3A_126 : memref<12800xf32, #tpu.memory_space<hbm>>)
    %dma_wait3A_127 = tpu.memref_slice %arg4[%add3A_122] : memref<3276800xf32, #tpu.memory_space<hbm>> -> memref<12800xf32, #tpu.memory_space<hbm>>
    %dma_wait3A_128 = tpu.memref_slice %arg4[%add3A_122] : memref<3276800xf32, #tpu.memory_space<hbm>> -> memref<12800xf32, #tpu.memory_space<hbm>>
    tpu.wait_dma2 semaphore(%arg14 : memref<!tpu.dma_semaphore, #tpu.memory_space<semaphore_mem>>) src(%arg8 : memref<12800xf32, #tpu.memory_space<vmem>>) dst(%dma_wait3A_128 : memref<12800xf32, #tpu.memory_space<hbm>>)
    return
  }
}

module attributes {stable_mosaic.version = 14 : i64} {
  func.func @_transform_body(%arg0: i32, %arg1: memref<11xf32, #tpu.memory_space<smem>>, %arg2: memref<3x65536xf32, #tpu.memory_space<vmem>>, %arg3: memref<65536xf32, #tpu.memory_space<vmem>>) attributes {dimension_semantics = [#tpu.dimension_semantics<arbitrary>], iteration_bounds = array<i64: 16>, scalar_prefetch = 0 : i64, scratch_operands = 0 : i64, tpu.core_type = #tpu.core_type<tc>, window_params = [{transform_indices = @transform_0, window_bounds = array<i64: 11>}, {transform_indices = @transform_1, window_bounds = array<i64: 3, 65536>}, {transform_indices = @transform_2, window_bounds = array<i64: 65536>}]} {
    %get3A = arith.constant 0 : index
    %get3A_0 = arith.constant 0 : index
    %get3A_1 = vector.load %arg2[%get3A, %get3A_0] : memref<3x65536xf32, #tpu.memory_space<vmem>>, vector<3x65536xf32>
    %slice3A = vector.extract_strided_slice %get3A_1 {offsets = [0, 0], sizes = [1, 65536], strides = [1, 1]} : vector<3x65536xf32> to vector<1x65536xf32>
    %slice3A_2 = vector.extract_strided_slice %get3A_1 {offsets = [1, 0], sizes = [1, 65536], strides = [1, 1]} : vector<3x65536xf32> to vector<1x65536xf32>
    %slice3A_3 = vector.extract_strided_slice %get3A_1 {offsets = [2, 0], sizes = [1, 65536], strides = [1, 1]} : vector<3x65536xf32> to vector<1x65536xf32>
    %get3A_4 = arith.constant 0 : index
    %get3A_5 = memref.load %arg1[%get3A_4] : memref<11xf32, #tpu.memory_space<smem>>
    %mul3A = vector.broadcast %get3A_5 : f32 to vector<1x65536xf32>
    %mul3A_6 = arith.mulf %slice3A, %mul3A : vector<1x65536xf32>
    %get3A_7 = arith.constant 1 : index
    %get3A_8 = memref.load %arg1[%get3A_7] : memref<11xf32, #tpu.memory_space<smem>>
    %mul3A_9 = vector.broadcast %get3A_8 : f32 to vector<1x65536xf32>
    %mul3A_10 = arith.mulf %slice3A_2, %mul3A_9 : vector<1x65536xf32>
    %add3A = arith.addf %mul3A_6, %mul3A_10 : vector<1x65536xf32>
    %get3A_11 = arith.constant 2 : index
    %get3A_12 = memref.load %arg1[%get3A_11] : memref<11xf32, #tpu.memory_space<smem>>
    %mul3A_13 = vector.broadcast %get3A_12 : f32 to vector<1x65536xf32>
    %mul3A_14 = arith.mulf %slice3A_3, %mul3A_13 : vector<1x65536xf32>
    %add3A_15 = arith.addf %add3A, %mul3A_14 : vector<1x65536xf32>
    %get3A_16 = arith.constant 3 : index
    %get3A_17 = memref.load %arg1[%get3A_16] : memref<11xf32, #tpu.memory_space<smem>>
    %add3A_18 = vector.broadcast %get3A_17 : f32 to vector<1x65536xf32>
    %add3A_19 = arith.addf %add3A_15, %add3A_18 : vector<1x65536xf32>
    %max3A = arith.constant 0.000000e+00 : f32
    %max3A_20 = vector.broadcast %max3A : f32 to vector<1x65536xf32>
    %max3A_21 = arith.maximumf %add3A_19, %max3A_20 : vector<1x65536xf32>
    %get3A_22 = arith.constant 4 : index
    %get3A_23 = memref.load %arg1[%get3A_22] : memref<11xf32, #tpu.memory_space<smem>>
    %mul3A_24 = vector.broadcast %get3A_23 : f32 to vector<1x65536xf32>
    %mul3A_25 = arith.mulf %slice3A, %mul3A_24 : vector<1x65536xf32>
    %get3A_26 = arith.constant 5 : index
    %get3A_27 = memref.load %arg1[%get3A_26] : memref<11xf32, #tpu.memory_space<smem>>
    %mul3A_28 = vector.broadcast %get3A_27 : f32 to vector<1x65536xf32>
    %mul3A_29 = arith.mulf %slice3A_2, %mul3A_28 : vector<1x65536xf32>
    %add3A_30 = arith.addf %mul3A_25, %mul3A_29 : vector<1x65536xf32>
    %get3A_31 = arith.constant 6 : index
    %get3A_32 = memref.load %arg1[%get3A_31] : memref<11xf32, #tpu.memory_space<smem>>
    %mul3A_33 = vector.broadcast %get3A_32 : f32 to vector<1x65536xf32>
    %mul3A_34 = arith.mulf %slice3A_3, %mul3A_33 : vector<1x65536xf32>
    %add3A_35 = arith.addf %add3A_30, %mul3A_34 : vector<1x65536xf32>
    %get3A_36 = arith.constant 7 : index
    %get3A_37 = memref.load %arg1[%get3A_36] : memref<11xf32, #tpu.memory_space<smem>>
    %add3A_38 = vector.broadcast %get3A_37 : f32 to vector<1x65536xf32>
    %add3A_39 = arith.addf %add3A_35, %add3A_38 : vector<1x65536xf32>
    %max3A_40 = arith.constant 0.000000e+00 : f32
    %max3A_41 = vector.broadcast %max3A_40 : f32 to vector<1x65536xf32>
    %max3A_42 = arith.maximumf %add3A_39, %max3A_41 : vector<1x65536xf32>
    %get3A_43 = arith.constant 8 : index
    %get3A_44 = memref.load %arg1[%get3A_43] : memref<11xf32, #tpu.memory_space<smem>>
    %mul3A_45 = vector.broadcast %get3A_44 : f32 to vector<1x65536xf32>
    %mul3A_46 = arith.mulf %max3A_21, %mul3A_45 : vector<1x65536xf32>
    %get3A_47 = arith.constant 9 : index
    %get3A_48 = memref.load %arg1[%get3A_47] : memref<11xf32, #tpu.memory_space<smem>>
    %mul3A_49 = vector.broadcast %get3A_48 : f32 to vector<1x65536xf32>
    %mul3A_50 = arith.mulf %max3A_42, %mul3A_49 : vector<1x65536xf32>
    %add3A_51 = arith.addf %mul3A_46, %mul3A_50 : vector<1x65536xf32>
    %get3A_52 = arith.constant 10 : index
    %get3A_53 = memref.load %arg1[%get3A_52] : memref<11xf32, #tpu.memory_space<smem>>
    %add3A_54 = vector.broadcast %get3A_53 : f32 to vector<1x65536xf32>
    %add3A_55 = arith.addf %add3A_51, %add3A_54 : vector<1x65536xf32>
    %max3A_56 = arith.constant 0.000000e+00 : f32
    %max3A_57 = vector.broadcast %max3A_56 : f32 to vector<1x65536xf32>
    %max3A_58 = arith.maximumf %add3A_55, %max3A_57 : vector<1x65536xf32>
    %reshape3A = vector.shape_cast %max3A_58 : vector<1x65536xf32> to vector<65536xf32>
    %swap3A = arith.constant 0 : index
    %swap3A_59 = vector.load %arg3[%swap3A] : memref<65536xf32, #tpu.memory_space<vmem>>, vector<65536xf32>
    tpu.vector_store %arg3[%swap3A], %reshape3A {strides = array<i32>} : memref<65536xf32, #tpu.memory_space<vmem>>, vector<65536xf32>,
    return
  }
  func.func @transform_0(%arg0: i32) -> i32 {
    %c0_i32 = arith.constant 0 : i32
    %c0_i32_0 = arith.constant 0 : i32
    return %c0_i32 : i32
  }
  func.func @transform_1(%arg0: i32) -> (i32, i32) {
    %c0_i32 = arith.constant 0 : i32
    %c0_i32_0 = arith.constant 0 : i32
    return %c0_i32, %arg0 : i32, i32
  }
  func.func @transform_2(%arg0: i32) -> i32 {
    %c0_i32 = arith.constant 0 : i32
    return %arg0 : i32
  }
}

</mosaic_0001>

<sc_bundles>
// kernel: kernel.4.cloned.1.call-start
scs
__scs_entry_jumppad:
0x0: {  	(pc) =	sbr.rel $0x88, $3  }
0x1: {  	(tag) =	ssettag $0x0;
	lr =	simm.s32 $0x1  }
0x2: {  	[smem:$0x3F9B] =	sst lr;
	_ =	strace $0xD0000000  }
0x3: {  	_ = 	snop  }
0x4: {  	_ = 	snop  }
0x5: {  	_ = 	snop  }
0x6: {  	_ = 	snop  }
0x7: {  	_ = 	snop  }
__scs_overlays_trampoline_lowered:
0x8: {  	[smem:$0x3FAA] =	sst s0  }
0x9: {  	[smem:$0x3FAB] =	sst s1  }
0xa: {  	[smem:$0x3FAC] =	sst s2  }
0xb: {  	[smem:$0x3FAD] =	sst s3  }
0xc: {  	[smem:$0x3FAE] =	sst s4  }
0xd: {  	[smem:$0x3FAF] =	sst s5  }
0xe: {  	[smem:$0x3FB0] =	sst s6  }
0xf: {  	[smem:$0x3FB1] =	sst s7  }
0x10: {  	[smem:$0x3FB2] =	sst s8  }
0x11: {  	[smem:$0x3FB3] =	sst s9;
	s0 =	simm.s32 @!p0 $0x0  }
0x12: {  	s1 =	sld [smem:$0x3F99];
	s0 =	simm.s32 @p0 $0x1  }
0x13: {  	[smem:$0x3FB4] =	sst s0;
	s0 =	simm.s32 @!p1 $0x0  }
0x14: {  	s2 =	sld [smem:$0x3F98];
	s0 =	simm.s32 @p1 $0x1  }
0x15: {  	[smem:$0x3FB5] =	sst s0;
	s0 =	simm.s32 @!p2 $0x0  }
0x16: {  	s3 =	sld [smem:$0x3FDB];
	s0 =	simm.s32 @p2 $0x1  }
0x17: {  	s4 =	simm.s32 $0x1BF5;
	[smem:$0x3FB7] =	sst s0  }
0x18: {  	s0 =	sld [smem:$0x3F9A];
	_ =	swait.ge [sflag:s4], $0x0  }
0x19: {  	s7 =	sld [smem:$0x3F9B]  }
0x1a: {  	s8 =	sadd.s32 $0xFFFFE003, lr  }
0x1b: {  	s9 =	sadd.s32 $0xFFFFFEF7, lr;
	s5 =	simm.s32 $0xFFFFFFFF;
	p2 =	slt.u32 s8, $0xFFFFF086  }
0x1c: {  	p1 =	slt.u32 s9, $0xF7A;
	s5 =	simm.s32 @!p2 $0x0  }
0x1d: {  	s5 =	simm.s32 @p1 $0x1;
	p0 =	seq.s32 s7, s2  }
0x1e: {  	s7 =	smul.u32 @!p0 $0xF7A, s2;
	p2 =	seq.s32 @!p0 s5, $0x0  }
0x1f: {  	s9 =	smul.u32 $0xF7A, s1;
	s8 =	simm.s32 @!p0 $0x1BF5;
	p2 =	por !p2, p0  }
0x20: {  	[sflag:s8] =	ssyncset.s32 @!p0 $0xFFFFF086;
	s6 =	sadd.s32 @!p0 s3, s7;
	s7 =	simm.s32 @!p0 $0x108  }
0x21: {  	s3 =	sadd.s32 s3, s9;
	s6 =	sadd.s32 @!p0 $0x88, s6;
	s7 =	simm.s32 @p2 $0x1082  }
0x22: {  	[simem:s7], [sflag:s8] =	dma.local @!p0 [hbm:s6], $0xF7A  }
0x23: {  	s9 =	sor.u32 $0xD0000000, s2;
	s6 =	simm.s32 $0x108;
	_ =	swait.ge @!p0 [sflag:s8], $0x0  }
0x24: {  	s3 =	sadd.s32 $0x88, s3;
	s6 =	simm.s32 @!p1 $0x1082;
	[sflag:s4] =	ssyncset.s32 $0xFFFFF086  }
0x25: {  	[simem:s6], [sflag:s4] =	dma.local [hbm:s3], $0xF7A  }
0x26: {  	[smem:$0x3F9B] =	sst s1;
	(tag) =	ssettag s2;
	_ =	strace s9  }
0x27: {  	s1 =	sld [smem:$0x3FAB]  }
0x28: {  	s2 =	sld [smem:$0x3FAC]  }
0x29: {  	s4 =	sld [smem:$0x3FAE]  }
0x2a: {  	p0 =	seq.s32 s5, $0x0;
	s5 =	sld [smem:$0x3FAF]  }
0x2b: {  	s6 =	sld [smem:$0x3FB0]  }
0x2c: {  	s7 =	sld [smem:$0x3FB1]  }
0x2d: {  	s3 =	simm.s32 $0x108;
	s8 =	sld [smem:$0x3FB2]  }
0x2e: {  	s3 =	simm.s32 @!p0 $0x1082;
	s9 =	sld [smem:$0x3FB3]  }
0x2f: {  	lr =	sadd.s32 s0, s3;
	s0 =	sld [smem:$0x3FAA]  }
0x30: {  	s3 =	sld [smem:$0x3FAD]  }
0x31: {  	[smem:$0x3FB6] =	sst s10  }
0x32: {  	s10 =	sld [smem:$0x3FB4];
	_ =	sdelay $0x3  }
0x33: {  	p0 =	seq.s32 s10, $0x1;
	s10 =	sld [smem:$0x3FB6];
	_ =	sdelay $0x3  }
0x34: {  	[smem:$0x3FB6] =	sst s10  }
0x35: {  	s10 =	sld [smem:$0x3FB5];
	_ =	sdelay $0x3  }
0x36: {  	p1 =	seq.s32 s10, $0x1;
	s10 =	sld [smem:$0x3FB6];
	_ =	sdelay $0x3  }
0x37: {  	[smem:$0x3FB6] =	sst s10  }
0x38: {  	s10 =	sld [smem:$0x3FB7]  }
0x39: {  	_ = 	snop;
	(pc) =	sbr.ind lr, $3  }
0x3a: {  	_ = 	snop  }
0x3b: {  	_ = 	snop  }
0x3c: {  	p2 =	seq.s32 s10, $0x1;
	s10 =	sld [smem:$0x3FB6]  }
0x3d: {  	_ =	shalt  }
0x3e: {  	_ =	shalt  }
0x3f: {  	_ =	shalt  }
0x40: {  	_ =	shalt  }
0x41: {  	_ =	shalt  }
0x42: {  	_ =	shalt  }
0x43: {  	_ =	shalt  }
0x44: {  	_ =	shalt  }
0x45: {  	_ =	shalt  }
0x46: {  	_ =	shalt  }
0x47: {  	_ =	shalt  }
0x48: {  	_ =	shalt  }
0x49: {  	_ =	shalt  }
0x4a: {  	_ =	shalt  }
0x4b: {  	_ =	shalt  }
0x4c: {  	_ =	shalt  }
0x4d: {  	_ =	shalt  }
0x4e: {  	_ =	shalt  }
0x4f: {  	_ =	shalt  }
0x50: {  	_ =	shalt  }
0x51: {  	_ =	shalt  }
0x52: {  	_ =	shalt  }
0x53: {  	_ =	shalt  }
0x54: {  	_ =	shalt  }
0x55: {  	_ =	shalt  }
0x56: {  	_ =	shalt  }
0x57: {  	_ =	shalt  }
0x58: {  	_ =	shalt  }
0x59: {  	_ =	shalt  }
0x5a: {  	_ =	shalt  }
0x5b: {  	_ =	shalt  }
0x5c: {  	_ =	shalt  }
0x5d: {  	_ =	shalt  }
0x5e: {  	_ =	shalt  }
0x5f: {  	_ =	shalt  }
0x60: {  	_ =	shalt  }
0x61: {  	_ =	shalt  }
0x62: {  	_ =	shalt  }
0x63: {  	_ =	shalt  }
0x64: {  	_ =	shalt  }
0x65: {  	_ =	shalt  }
0x66: {  	_ =	shalt  }
0x67: {  	_ =	shalt  }
0x68: {  	_ =	shalt  }
0x69: {  	_ =	shalt  }
0x6a: {  	_ =	shalt  }
0x6b: {  	_ =	shalt  }
0x6c: {  	_ =	shalt  }
0x6d: {  	_ =	shalt  }
0x6e: {  	_ =	shalt  }
0x6f: {  	_ =	shalt  }
0x70: {  	_ =	shalt  }
0x71: {  	_ =	shalt  }
0x72: {  	_ =	shalt  }
0x73: {  	_ =	shalt  }
0x74: {  	_ =	shalt  }
0x75: {  	_ =	shalt  }
0x76: {  	_ =	shalt  }
0x77: {  	_ =	shalt  }
0x78: {  	_ =	shalt  }
0x79: {  	_ =	shalt  }
0x7a: {  	_ =	shalt  }
0x7b: {  	_ =	shalt  }
0x7c: {  	_ =	shalt  }
0x7d: {  	_ =	shalt  }
0x7e: {  	_ =	shalt  }
0x7f: {  	_ =	shalt  }
0x80: {  	_ =	shalt  }
0x81: {  	_ =	shalt  }
0x82: {  	_ =	shalt  }
0x83: {  	_ =	shalt  }
0x84: {  	_ =	shalt  }
0x85: {  	_ =	shalt  }
0x86: {  	_ =	shalt  }
0x87: {  	_ =	shalt  }
.Lfunc_end0:
.L_simem_size_0:
called_computation_lowered:
.L_overlay_start_0:
0x88: {  	s2 =	sld [smem:$0x3FD9]  }
0x89: {  	s3 =	sld [smem:$0x3FFE];
	_ =	sdelay $0x1  }
0x8a: {  	s1 =	srdreg.scid  }
0x8b: {  	s0 =	sand.u32 $0x1, s1  }
0x8c: {  	s17 =	sshll.u32 s0, $0xA;
	s2 =	sadd.s32 s3, s2  }
0x8d: {  	s2 =	sadd.s32 s2, s17  }
0x8e: {  	[smem:$0x3FC2] =	sst s2  }
0x8f: {  	_ = 	snop  }
0x90: {  	s2 =	sld [smem:$0x3FD0];
	(tm) =	ssettm $0x1  }
0x91: {  	s18 =	sld [smem:$0x3FFB];
	_ =	sdelay $0x3  }
0x92: {  	_ =	strace s18  }
0x93: {  	s3 =	sld [smem:$0x3FFC];
	_ =	sdelay $0x3  }
0x94: {  	_ =	strace s3  }
0x95: {  	s3 =	sld [smem:$0x3FFD];
	_ =	sdelay $0x3  }
0x96: {  	_ =	strace s3  }
0x97: {  	_ =	strace $0x8FFFFFFF  }
0x98: {  	s19 =	sld [smem:$0x3FDB];
	_ =	sdelay $0x1  }
0x99: {  	s4 =	simm.s32 $_scs_section_size  }
0x9a: {  	s5 =	simm.s32 $_size__tile_overlayer_lowered;
	s6 =	simm.s32 $_tile_overlayer_lowered  }
0x9b: {  	s22 =	simm.s32 $0x1BFF;
	s21 =	sshll.u32 s6, $0x1;
	s3 =	sadd.s32 s4, s19  }
0x9c: {  	s7 =	simm.s32 $0x0;
	s20 =	sshll.u32 s5, $0x1;
	s5 =	sadd.s32 s21, s3  }
0x9d: {  	[timem:s7], [sflag:s22] =	dma.local [hbm:s5], s20  }
0x9e: {  	_ =	swait.ge [sflag:s22], s20  }
0x9f: {  	s4 =	ssub.s32 $0x0, s20;
	[sflag:s22] =	ssyncset.done $0x0  }
0xa0: {  	[sflag:s22] =	ssyncadd.s32 s4;
	_ =	sdelay $0x1  }
0xa1: {  	s23 =	simm.s32 $0x1B8B  }
0xa2: {  	_ =	swait.ge [sflag:s23], $0x1  }
0xa3: {  	[sflag:s23] =	ssyncset.done $0x0  }
0xa4: {  	s25 =	simm.s32 $0x1B8E;
	s24 =	sld [smem:$0x3FFE];
	[sflag:s23] =	ssyncadd.s32 $0xFFFFFFFF  }
0xa5: {  	s26 =	simm.s32 $execute0_lowered;
	[smem:$0x3FD2] =	sst s25  }
0xa6: {  	s5 =	sshll.u32 s26, $0x1;
	_ =	strace $0x80000046;
	[dreg:$0x1] =	wrdreg $0xFFFFFFFF  }
0xa7: {  	s28 =	simm.s32 $_size_execute0_lowered;
	s3 =	sadd.s32 s3, s5;
	[dreg:$0x0] =	wrdreg $0x0  }
0xa8: {  	s5 =	sshll.u32 s28, $0x1;
	[dreg:$0x2] =	wrdreg s3  }
0xa9: {  	[dreg:$0x3] =	wrdreg s5  }
0xaa: {  	[dreg:$0x4] =	wrdreg $0xC0  }
0xab: {  	_ =	task [dreg:s7], $0x5FFFF  }
0xac: {  	[dreg:$0x1] =	wrdreg $0xFFFFFFFF  }
0xad: {  	[dreg:$0x0] =	wrdreg $0x60  }
0xae: {  	[dreg:$0x2] =	wrdreg s24  }
0xaf: {  	[dreg:$0x3] =	wrdreg s2  }
0xb0: {  	[dreg:$0x4] =	wrdreg $0x9  }
0xb1: {  	_ =	task.clear_ibuf [dreg:s7], $0x5FFFF;
	_ =	strace $0x90000046  }
0xb2: {  	s29 =	simm.s32 $0x9;
	_ =	strace $0x80000048  }
0xb3: {  	_ =	swait.ge [sflag:s29], $0x1  }
0xb4: {  	[sflag:s29] =	ssyncadd.s32 $0xFFFFFFFF  }
0xb5: {  	_ =	strace $0x90000048  }
0xb6: {  	_ =	sfence  }
0xb7: {  	s30 =	sld [smem:$0x0];
	_ =	sdelay $0x2  }
0xb8: {  	s31 =	sshll.u32 s1, $0xD;
	s1 =	sshrl.u32 s1, $0x2  }
0xb9: {  	s3 =	sand.u32 $0x4000, s31;
	s1 =	sadd.s32 s1, s30  }
0xba: {  	s0 =	sor.u32 s3, s0;
	s1 =	sshll.u32 s1, $0x11  }
0xbb: {  	s0 =	sor.u32 s1, s0  }
0xbc: {  	s0 =	sadd.s32 $0x8F2B, s0  }
0xbd: {  	[sflag:s0] =	ssyncadd.remote.s32 $0x1  }
0xbe: {  	_ =	sfence.sel $0xFFFF  }
0xbf: {  	[dreg:$0x0] =	wrdreg $0xFFFFFFFF;
	(pc) =	sbr.abs _section_cstart, $3  }
0xc0: {  	[dreg:$0x1] =	wrdreg $0xFFFFFFFF  }
0xc1: {  	_ =	task.clear_ibuf [dreg:s7], $0x2FFFF;
	_ =	strace $0x9FFFFFFF  }
0xc2: {  	(tm) =	ssettm $0x7FFFFFFF  }
0xc3: {  	_ =	shalt  }
tec
execute0_lowered:
.L_overlay_start_1:
0x0: {  	(tag) =	ssettag $0x1  }
0x1: {  	s1 =	srdreg.scid;
	s0 =	stileid.u32  }
0x2: {  	s30 =	sand.u32 $0x1, s1;
	s26 =	sshll.u32 s0, $0x1  }
0x3: {  	s1 =	sor.u32 s30, s26  }
0x4: {  	s10 =	rddreg [dreg:$0x0];
	s2 =	simm.s32 $0x0;
	s3 =	smul.u32 $0x19000, s1  }
0x5: {  	[smem:$0x7FF] =	sst s2  }
0x6: {  	s26 =	rddreg [dreg:$0x1];
	s28 =	sshrl.u32 s3, $0x3  }
0x7: {  	s4 =	simm.s32 $0x1;
	_ =	strace $0x80000047;
	s3 =	sadd.s32 s26, s28  }
0x8: {  	[tilespmem:s2], [sflag:$0x1] =	stream.linear.gather [hbm4b:s3+s2], $0x3200, $0x38;
	[tilespmem:$0xC800] =	vst v63  }
0x9: {  	_ =	swait.ge [sflag:s4], $0x3200  }
0xa: {  	s6 =	simm.s32 $0x3200;
	s7 =	simm.s32 $0x6400;
	[sflag:s4] =	ssyncset.done $0x0  }
0xb: {  	s5 =	sadd.s32 $0x1C00, s10;
	s15 =	sadd.s32 $0x640, s28;
	[sflag:s4] =	ssyncadd.s32 $0xFFFFCE00  }
0xc: {  	[tilespmem:s7], [sflag:$0x3] =	stream.indirect.gather [hbm4b:s5+s6], $0x1, s2, s6, $0xb8;
	[tilespmem:$0xC800] =	vst v63  }
0xd: {  	s9 =	simm.s32 $0x3;
	s8 =	sadd.s32 s26, s15  }
0xe: {  	[tilespmem:s6], [sflag:$0x2] =	stream.linear.gather [hbm4b:s8+s2], $0x3200, $0x38;
	[tilespmem:$0xC800] =	vst v63  }
0xf: {  	_ =	swait.ge [sflag:s9], $0x3200  }
0x10: {  	s29 =	sadd.s32 $0x21C00, s10;
	[sflag:s9] =	ssyncset.done $0x0  }
0x11: {  	s11 =	simm.s32 $0x2;
	s10 =	sadd.s32 s29, s28;
	[sflag:s9] =	ssyncadd.s32 $0xFFFFCE00  }
0x12: {  	[hbm4b:s10+s2] =	stream.linear.scatter [tilespmem:s7], [sflag:$0x5], $0x3200, $0x38;
	[tilespmem:$0xC800] =	vst v63  }
0x13: {  	_ =	swait.ge [sflag:s11], $0x3200  }
0x14: {  	[sflag:s11] =	ssyncset.done $0x0  }
0x15: {  	s12 =	simm.s32 $0x9600;
	s18 =	sadd.s32 $0xC80, s28;
	[sflag:s11] =	ssyncadd.s32 $0xFFFFCE00  }
0x16: {  	[tilespmem:s12], [sflag:$0x4] =	stream.indirect.gather [hbm4b:s5+s6], $0x1, s6, s6, $0xb8;
	[tilespmem:$0xC800] =	vst v63  }
0x17: {  	s14 =	simm.s32 $0x4;
	s13 =	sadd.s32 s26, s18  }
0x18: {  	[tilespmem:s2], [sflag:$0x1] =	stream.linear.gather [hbm4b:s13+s2], $0x3200, $0x38;
	[tilespmem:$0xC800] =	vst v63  }
0x19: {  	_ =	swait.ge [sflag:s14], $0x3200  }
0x1a: {  	[sflag:s14] =	ssyncset.done $0x0  }
0x1b: {  	s16 =	simm.s32 $0x5;
	s15 =	sadd.s32 s29, s15;
	[sflag:s14] =	ssyncadd.s32 $0xFFFFCE00  }
0x1c: {  	[hbm4b:s15+s2] =	stream.linear.scatter [tilespmem:s12], [sflag:$0x6], $0x3200, $0x38;
	[tilespmem:$0xC800] =	vst v63  }
0x1d: {  	_ =	swait.ge [sflag:s16], $0x3200  }
0x1e: {  	[sflag:s16] =	ssyncset.done $0x0  }
0x1f: {  	[sflag:s16] =	ssyncadd.s32 $0xFFFFCE00  }
0x20: {  	_ =	swait.ge [sflag:s4], $0x3200  }
0x21: {  	[sflag:s4] =	ssyncset.done $0x0  }
0x22: {  	s21 =	sadd.s32 $0x12C0, s28;
	[sflag:s4] =	ssyncadd.s32 $0xFFFFCE00  }
0x23: {  	[tilespmem:s7], [sflag:$0x3] =	stream.indirect.gather [hbm4b:s5+s6], $0x1, s2, s6, $0xb8;
	[tilespmem:$0xC800] =	vst v63  }
0x24: {  	s17 =	sadd.s32 s26, s21  }
0x25: {  	[tilespmem:s6], [sflag:$0x2] =	stream.linear.gather [hbm4b:s17+s2], $0x3200, $0x38;
	[tilespmem:$0xC800] =	vst v63  }
0x26: {  	_ =	swait.ge [sflag:s9], $0x3200  }
0x27: {  	[sflag:s9] =	ssyncset.done $0x0  }
0x28: {  	s19 =	sadd.s32 s29, s18;
	s18 =	simm.s32 $0x6;
	[sflag:s9] =	ssyncadd.s32 $0xFFFFCE00  }
0x29: {  	[hbm4b:s19+s2] =	stream.linear.scatter [tilespmem:s7], [sflag:$0x5], $0x3200, $0x38;
	[tilespmem:$0xC800] =	vst v63  }
0x2a: {  	_ =	swait.ge [sflag:s18], $0x3200  }
0x2b: {  	[sflag:s18] =	ssyncset.done $0x0  }
0x2c: {  	[sflag:s18] =	ssyncadd.s32 $0xFFFFCE00  }
0x2d: {  	_ =	swait.ge [sflag:s11], $0x3200  }
0x2e: {  	[sflag:s11] =	ssyncset.done $0x0  }
0x2f: {  	s23 =	sadd.s32 $0x1900, s28;
	[sflag:s11] =	ssyncadd.s32 $0xFFFFCE00  }
0x30: {  	[tilespmem:s12], [sflag:$0x4] =	stream.indirect.gather [hbm4b:s5+s6], $0x1, s6, s6, $0xb8;
	[tilespmem:$0xC800] =	vst v63  }
0x31: {  	s20 =	sadd.s32 s26, s23  }
0x32: {  	[tilespmem:s2], [sflag:$0x1] =	stream.linear.gather [hbm4b:s20+s2], $0x3200, $0x38;
	[tilespmem:$0xC800] =	vst v63  }
0x33: {  	_ =	swait.ge [sflag:s14], $0x3200  }
0x34: {  	[sflag:s14] =	ssyncset.done $0x0  }
0x35: {  	s21 =	sadd.s32 s29, s21;
	[sflag:s14] =	ssyncadd.s32 $0xFFFFCE00  }
0x36: {  	[hbm4b:s21+s2] =	stream.linear.scatter [tilespmem:s12], [sflag:$0x6], $0x3200, $0x38;
	[tilespmem:$0xC800] =	vst v63  }
0x37: {  	_ =	swait.ge [sflag:s16], $0x3200  }
0x38: {  	[sflag:s16] =	ssyncset.done $0x0  }
0x39: {  	[sflag:s16] =	ssyncadd.s32 $0xFFFFCE00  }
0x3a: {  	_ =	swait.ge [sflag:s4], $0x3200  }
0x3b: {  	[sflag:s4] =	ssyncset.done $0x0  }
0x3c: {  	s25 =	sadd.s32 $0x1F40, s28;
	[sflag:s4] =	ssyncadd.s32 $0xFFFFCE00  }
0x3d: {  	[tilespmem:s7], [sflag:$0x3] =	stream.indirect.gather [hbm4b:s5+s6], $0x1, s2, s6, $0xb8;
	[tilespmem:$0xC800] =	vst v63  }
0x3e: {  	s22 =	sadd.s32 s26, s25  }
0x3f: {  	[tilespmem:s6], [sflag:$0x2] =	stream.linear.gather [hbm4b:s22+s2], $0x3200, $0x38;
	[tilespmem:$0xC800] =	vst v63  }
0x40: {  	_ =	swait.ge [sflag:s9], $0x3200  }
0x41: {  	[sflag:s9] =	ssyncset.done $0x0  }
0x42: {  	s23 =	sadd.s32 s29, s23;
	[sflag:s9] =	ssyncadd.s32 $0xFFFFCE00  }
0x43: {  	[hbm4b:s23+s2] =	stream.linear.scatter [tilespmem:s7], [sflag:$0x5], $0x3200, $0x38;
	[tilespmem:$0xC800] =	vst v63  }
0x44: {  	_ =	swait.ge [sflag:s18], $0x3200  }
0x45: {  	[sflag:s18] =	ssyncset.done $0x0  }
0x46: {  	[sflag:s18] =	ssyncadd.s32 $0xFFFFCE00  }
0x47: {  	_ =	swait.ge [sflag:s11], $0x3200  }
0x48: {  	[sflag:s11] =	ssyncset.done $0x0  }
0x49: {  	s31 =	sadd.s32 $0x2580, s28;
	[sflag:s11] =	ssyncadd.s32 $0xFFFFCE00  }
0x4a: {  	[tilespmem:s12], [sflag:$0x4] =	stream.indirect.gather [hbm4b:s5+s6], $0x1, s6, s6, $0xb8;
	[tilespmem:$0xC800] =	vst v63  }
0x4b: {  	s24 =	sadd.s32 s26, s31  }
0x4c: {  	[tilespmem:s2], [sflag:$0x1] =	stream.linear.gather [hbm4b:s24+s2], $0x3200, $0x38;
	[tilespmem:$0xC800] =	vst v63  }
0x4d: {  	_ =	swait.ge [sflag:s14], $0x3200  }
0x4e: {  	[sflag:s14] =	ssyncset.done $0x0  }
0x4f: {  	s25 =	sadd.s32 s29, s25;
	[sflag:s14] =	ssyncadd.s32 $0xFFFFCE00  }
0x50: {  	[hbm4b:s25+s2] =	stream.linear.scatter [tilespmem:s12], [sflag:$0x6], $0x3200, $0x38;
	[tilespmem:$0xC800] =	vst v63  }
0x51: {  	_ =	swait.ge [sflag:s16], $0x3200  }
0x52: {  	[sflag:s16] =	ssyncset.done $0x0  }
0x53: {  	[sflag:s16] =	ssyncadd.s32 $0xFFFFCE00  }
0x54: {  	_ =	swait.ge [sflag:s4], $0x3200  }
0x55: {  	[sflag:s4] =	ssyncset.done $0x0  }
0x56: {  	s1 =	sadd.s32 $0x2BC0, s28;
	[sflag:s4] =	ssyncadd.s32 $0xFFFFCE00  }
0x57: {  	[tilespmem:s7], [sflag:$0x3] =	stream.indirect.gather [hbm4b:s5+s6], $0x1, s2, s6, $0xb8;
	[tilespmem:$0xC800] =	vst v63  }
0x58: {  	s26 =	sadd.s32 s26, s1  }
0x59: {  	[tilespmem:s6], [sflag:$0x2] =	stream.linear.gather [hbm4b:s26+s2], $0x3200, $0x38;
	[tilespmem:$0xC800] =	vst v63  }
0x5a: {  	_ =	swait.ge [sflag:s9], $0x3200  }
0x5b: {  	[sflag:s9] =	ssyncset.done $0x0  }
0x5c: {  	s28 =	sadd.s32 s29, s31;
	[sflag:s9] =	ssyncadd.s32 $0xFFFFCE00  }
0x5d: {  	[hbm4b:s28+s2] =	stream.linear.scatter [tilespmem:s7], [sflag:$0x5], $0x3200, $0x38;
	[tilespmem:$0xC800] =	vst v63  }
0x5e: {  	_ =	swait.ge [sflag:s18], $0x3200  }
0x5f: {  	[sflag:s18] =	ssyncset.done $0x0  }
0x60: {  	[sflag:s18] =	ssyncadd.s32 $0xFFFFCE00  }
0x61: {  	_ =	swait.ge [sflag:s11], $0x3200  }
0x62: {  	s31 =	ssub.s32 $0x2, s30;
	[sflag:s11] =	ssyncset.done $0x0  }
0x63: {  	s30 =	sshrl.u32 s31, $0x1;
	[sflag:s11] =	ssyncadd.s32 $0xFFFFCE00  }
0x64: {  	[tilespmem:s12], [sflag:$0x4] =	stream.indirect.gather [hbm4b:s5+s6], $0x1, s6, s6, $0xb8;
	[tilespmem:$0xC800] =	vst v63  }
0x65: {  	s29 =	sadd.s32 s29, s1;
	s1 =	ssub.s32 s31, s30;
	_ =	swait.ge [sflag:s14], $0x3200  }
0x66: {  	s1 =	smax.u32 s1, $0x1;
	[sflag:s14] =	ssyncset.done $0x0  }
0x67: {  	p0 =	sne.s32 s1, $0x1;
	[sflag:s14] =	ssyncadd.s32 $0xFFFFCE00  }
0x68: {  	[hbm4b:s29+s2] =	stream.linear.scatter [tilespmem:s12], [sflag:$0x6], $0x3200, $0x38;
	[tilespmem:$0xC800] =	vst v63  }
.Ltmp0:
0x69: {  	_ =	swait.ge [sflag:s16], $0x3200;
	(pc) =	sbr.rel @!p0 .LBB2_2-.Ltmp0, $4  }
0x6a: {  	[sflag:s16] =	ssyncset.done $0x0  }
0x6b: {  	[sflag:s16] =	ssyncadd.s32 $0xFFFFCE00  }
0x6c: {  	_ =	swait.ge [sflag:s18], $0x3200  }
0x6d: {  	s30 =	sadd.s32 $0xFFFFFFFF, s1;
	[sflag:s18] =	ssyncset.done $0x0  }
.LBB2_1:
0x6e: {  	p0 =	sne.s32 s30, $0x1;
	s30 =	sadd.s32 $0xFFFFFFFF, s30;
	[sflag:s18] =	ssyncadd.s32 $0xFFFFCE00  }
0x6f: {  	[tilespmem:s2], [sflag:$0x1] =	stream.linear.gather [hbm4b:s3+s2], $0x3200, $0x38;
	[tilespmem:$0xC800] =	vst v63  }
0x70: {  	_ =	swait.ge [sflag:s4], $0x3200  }
0x71: {  	[sflag:s4] =	ssyncset.done $0x0  }
0x72: {  	[sflag:s4] =	ssyncadd.s32 $0xFFFFCE00  }
0x73: {  	[tilespmem:s7], [sflag:$0x3] =	stream.indirect.gather [hbm4b:s5+s6], $0x1, s2, s6, $0xb8;
	[tilespmem:$0xC800] =	vst v63  }
0x74: {  	_ = 	snop  }
0x75: {  	[tilespmem:s6], [sflag:$0x2] =	stream.linear.gather [hbm4b:s8+s2], $0x3200, $0x38;
	[tilespmem:$0xC800] =	vst v63  }
0x76: {  	_ =	swait.ge [sflag:s9], $0x3200  }
0x77: {  	[sflag:s9] =	ssyncset.done $0x0  }
0x78: {  	[sflag:s9] =	ssyncadd.s32 $0xFFFFCE00  }
0x79: {  	[hbm4b:s10+s2] =	stream.linear.scatter [tilespmem:s7], [sflag:$0x5], $0x3200, $0x38;
	[tilespmem:$0xC800] =	vst v63  }
0x7a: {  	_ =	swait.ge [sflag:s11], $0x3200  }
0x7b: {  	[sflag:s11] =	ssyncset.done $0x0  }
0x7c: {  	[sflag:s11] =	ssyncadd.s32 $0xFFFFCE00  }
0x7d: {  	[tilespmem:s12], [sflag:$0x4] =	stream.indirect.gather [hbm4b:s5+s6], $0x1, s6, s6, $0xb8;
	[tilespmem:$0xC800] =	vst v63  }
0x7e: {  	_ = 	snop  }
0x7f: {  	[tilespmem:s2], [sflag:$0x1] =	stream.linear.gather [hbm4b:s13+s2], $0x3200, $0x38;
	[tilespmem:$0xC800] =	vst v63  }
0x80: {  	_ =	swait.ge [sflag:s14], $0x3200  }
0x81: {  	[sflag:s14] =	ssyncset.done $0x0  }
0x82: {  	[sflag:s14] =	ssyncadd.s32 $0xFFFFCE00  }
0x83: {  	[hbm4b:s15+s2] =	stream.linear.scatter [tilespmem:s12], [sflag:$0x6], $0x3200, $0x38;
	[tilespmem:$0xC800] =	vst v63  }
0x84: {  	_ =	swait.ge [sflag:s16], $0x3200  }
0x85: {  	[sflag:s16] =	ssyncset.done $0x0  }
0x86: {  	[sflag:s16] =	ssyncadd.s32 $0xFFFFCE00  }
0x87: {  	_ =	swait.ge [sflag:s4], $0x3200  }
0x88: {  	[sflag:s4] =	ssyncset.done $0x0  }
0x89: {  	[sflag:s4] =	ssyncadd.s32 $0xFFFFCE00  }
0x8a: {  	[tilespmem:s7], [sflag:$0x3] =	stream.indirect.gather [hbm4b:s5+s6], $0x1, s2, s6, $0xb8;
	[tilespmem:$0xC800] =	vst v63  }
0x8b: {  	_ = 	snop  }
0x8c: {  	[tilespmem:s6], [sflag:$0x2] =	stream.linear.gather [hbm4b:s17+s2], $0x3200, $0x38;
	[tilespmem:$0xC800] =	vst v63  }
0x8d: {  	_ =	swait.ge [sflag:s9], $0x3200  }
0x8e: {  	[sflag:s9] =	ssyncset.done $0x0  }
0x8f: {  	[sflag:s9] =	ssyncadd.s32 $0xFFFFCE00  }
0x90: {  	[hbm4b:s19+s2] =	stream.linear.scatter [tilespmem:s7], [sflag:$0x5], $0x3200, $0x38;
	[tilespmem:$0xC800] =	vst v63  }
0x91: {  	_ =	swait.ge [sflag:s18], $0x3200  }
0x92: {  	[sflag:s18] =	ssyncset.done $0x0  }
0x93: {  	[sflag:s18] =	ssyncadd.s32 $0xFFFFCE00  }
0x94: {  	_ =	swait.ge [sflag:s11], $0x3200  }
0x95: {  	[sflag:s11] =	ssyncset.done $0x0  }
0x96: {  	[sflag:s11] =	ssyncadd.s32 $0xFFFFCE00  }
0x97: {  	[tilespmem:s12], [sflag:$0x4] =	stream.indirect.gather [hbm4b:s5+s6], $0x1, s6, s6, $0xb8;
	[tilespmem:$0xC800] =	vst v63  }
0x98: {  	_ = 	snop  }
0x99: {  	[tilespmem:s2], [sflag:$0x1] =	stream.linear.gather [hbm4b:s20+s2], $0x3200, $0x38;
	[tilespmem:$0xC800] =	vst v63  }
0x9a: {  	_ =	swait.ge [sflag:s14], $0x3200  }
0x9b: {  	[sflag:s14] =	ssyncset.done $0x0  }
0x9c: {  	[sflag:s14] =	ssyncadd.s32 $0xFFFFCE00  }
0x9d: {  	[hbm4b:s21+s2] =	stream.linear.scatter [tilespmem:s12], [sflag:$0x6], $0x3200, $0x38;
	[tilespmem:$0xC800] =	vst v63  }
0x9e: {  	_ =	swait.ge [sflag:s16], $0x3200  }
0x9f: {  	[sflag:s16] =	ssyncset.done $0x0  }
0xa0: {  	[sflag:s16] =	ssyncadd.s32 $0xFFFFCE00  }
0xa1: {  	_ =	swait.ge [sflag:s4], $0x3200  }
0xa2: {  	[sflag:s4] =	ssyncset.done $0x0  }
0xa3: {  	[sflag:s4] =	ssyncadd.s32 $0xFFFFCE00  }
0xa4: {  	[tilespmem:s7], [sflag:$0x3] =	stream.indirect.gather [hbm4b:s5+s6], $0x1, s2, s6, $0xb8;
	[tilespmem:$0xC800] =	vst v63  }
0xa5: {  	_ = 	snop  }
0xa6: {  	[tilespmem:s6], [sflag:$0x2] =	stream.linear.gather [hbm4b:s22+s2], $0x3200, $0x38;
	[tilespmem:$0xC800] =	vst v63  }
0xa7: {  	_ =	swait.ge [sflag:s9], $0x3200  }
0xa8: {  	[sflag:s9] =	ssyncset.done $0x0  }
0xa9: {  	[sflag:s9] =	ssyncadd.s32 $0xFFFFCE00  }
0xaa: {  	[hbm4b:s23+s2] =	stream.linear.scatter [tilespmem:s7], [sflag:$0x5], $0x3200, $0x38;
	[tilespmem:$0xC800] =	vst v63  }
0xab: {  	_ =	swait.ge [sflag:s18], $0x3200  }
0xac: {  	[sflag:s18] =	ssyncset.done $0x0  }
0xad: {  	[sflag:s18] =	ssyncadd.s32 $0xFFFFCE00  }
0xae: {  	_ =	swait.ge [sflag:s11], $0x3200  }
0xaf: {  	[sflag:s11] =	ssyncset.done $0x0  }
0xb0: {  	[sflag:s11] =	ssyncadd.s32 $0xFFFFCE00  }
0xb1: {  	[tilespmem:s12], [sflag:$0x4] =	stream.indirect.gather [hbm4b:s5+s6], $0x1, s6, s6, $0xb8;
	[tilespmem:$0xC800] =	vst v63  }
0xb2: {  	_ = 	snop  }
0xb3: {  	[tilespmem:s2], [sflag:$0x1] =	stream.linear.gather [hbm4b:s24+s2], $0x3200, $0x38;
	[tilespmem:$0xC800] =	vst v63  }
0xb4: {  	_ =	swait.ge [sflag:s14], $0x3200  }
0xb5: {  	[sflag:s14] =	ssyncset.done $0x0  }
0xb6: {  	[sflag:s14] =	ssyncadd.s32 $0xFFFFCE00  }
0xb7: {  	[hbm4b:s25+s2] =	stream.linear.scatter [tilespmem:s12], [sflag:$0x6], $0x3200, $0x38;
	[tilespmem:$0xC800] =	vst v63  }
0xb8: {  	_ =	swait.ge [sflag:s16], $0x3200  }
0xb9: {  	[sflag:s16] =	ssyncset.done $0x0  }
0xba: {  	[sflag:s16] =	ssyncadd.s32 $0xFFFFCE00  }
0xbb: {  	_ =	swait.ge [sflag:s4], $0x3200  }
0xbc: {  	[sflag:s4] =	ssyncset.done $0x0  }
0xbd: {  	[sflag:s4] =	ssyncadd.s32 $0xFFFFCE00  }
0xbe: {  	[tilespmem:s7], [sflag:$0x3] =	stream.indirect.gather [hbm4b:s5+s6], $0x1, s2, s6, $0xb8;
	[tilespmem:$0xC800] =	vst v63  }
0xbf: {  	_ = 	snop  }
0xc0: {  	[tilespmem:s6], [sflag:$0x2] =	stream.linear.gather [hbm4b:s26+s2], $0x3200, $0x38;
	[tilespmem:$0xC800] =	vst v63  }
0xc1: {  	_ =	swait.ge [sflag:s9], $0x3200  }
0xc2: {  	[sflag:s9] =	ssyncset.done $0x0  }
0xc3: {  	[sflag:s9] =	ssyncadd.s32 $0xFFFFCE00  }
0xc4: {  	[hbm4b:s28+s2] =	stream.linear.scatter [tilespmem:s7], [sflag:$0x5], $0x3200, $0x38;
	[tilespmem:$0xC800] =	vst v63  }
0xc5: {  	_ =	swait.ge [sflag:s18], $0x3200  }
0xc6: {  	[sflag:s18] =	ssyncset.done $0x0  }
0xc7: {  	[sflag:s18] =	ssyncadd.s32 $0xFFFFCE00  }
0xc8: {  	_ =	swait.ge [sflag:s11], $0x3200  }
0xc9: {  	[sflag:s11] =	ssyncset.done $0x0  }
0xca: {  	[sflag:s11] =	ssyncadd.s32 $0xFFFFCE00  }
0xcb: {  	[tilespmem:s12], [sflag:$0x4] =	stream.indirect.gather [hbm4b:s5+s6], $0x1, s6, s6, $0xb8;
	[tilespmem:$0xC800] =	vst v63  }
0xcc: {  	_ =	swait.ge [sflag:s14], $0x3200  }
0xcd: {  	[sflag:s14] =	ssyncset.done $0x0  }
0xce: {  	[sflag:s14] =	ssyncadd.s32 $0xFFFFCE00  }
0xcf: {  	[hbm4b:s29+s2] =	stream.linear.scatter [tilespmem:s12], [sflag:$0x6], $0x3200, $0x38;
	[tilespmem:$0xC800] =	vst v63  }
.Ltmp1:
0xd0: {  	_ =	swait.ge [sflag:s16], $0x3200;
	(pc) =	sbr.rel @p0 .LBB2_1-.Ltmp1, $4  }
0xd1: {  	[sflag:s16] =	ssyncset.done $0x0  }
0xd2: {  	[sflag:s16] =	ssyncadd.s32 $0xFFFFCE00  }
0xd3: {  	_ =	swait.ge [sflag:s18], $0x3200  }
0xd4: {  	[sflag:s18] =	ssyncset.done $0x0  }
.LBB2_2:
0xd5: {  	[sflag:s18] =	ssyncadd.s32 $0xFFFFCE00  }
0xd6: {  	_ =	sfence.sel $0x180000  }
0xd7: {  	[bflag:$0x0] =	sbarrier.arrive $0xFFFF  }
0xd8: {  	_ =	strace $0x90000047  }
0xd9: {  	[bflag:$0x2] =	sbarrier.arrive $0xFFFF  }
0xda: {  	p0 =	sne.s32 s0, $0x0;
	s0 =	rddreg [dreg:$0x2]  }
0xdb: {  	s0 =	sadd.s32 @!p0 $0x100000, s0  }
0xdc: {  	[sflag:s0] =	ssyncadd.tile.s32 @!p0 $0x1;
	_ =	shalt  }
.Lfunc_end2:
_tile_overlayer_lowered:
.L_overlay_start_2:
0xdd: {  	(tag) =	ssettag $0x2  }
0xde: {  	s0 =	rddreg [dreg:$0x0];
	s2 =	stileid.u32  }
0xdf: {  	s1 =	rddreg [dreg:$0x1];
	p0 =	sne.s32 s2, $0x0  }
0xe0: {  	s3 =	rddreg [dreg:$0x2];
	[bflag:$0x3] =	sbarrier.arrive $0xFFFF;
	s2 =	simm.s32 @!p0 $0x1C07  }
0xe1: {  	[timem:s3], [sflag:s2] =	dma.local @!p0 [hbm:s0], s1  }
0xe2: {  	s0 =	simm.s32 @!p0 $0x7  }
0xe3: {  	_ =	swait.ge @!p0 [sflag:s0], s1  }
0xe4: {  	s1 =	ssub.s32 @!p0 $0x0, s1;
	[sflag:s0] =	ssyncset.done @!p0 $0x0  }
0xe5: {  	[sflag:s0] =	ssyncadd.s32 @!p0 s1  }
0xe6: {  	[bflag:$0x3] =	sbarrier.arrive $0xFFFF  }
0xe7: {  	_ =	shalt  }

</sc_bundles>
